<compile_context>
chip_gen: v7x
topology: tpu7x:2x2x1
jax: 0.10.2.dev20260603
libtpu: 0.0.44.dev20260713+nightly
codegen_flags: <defaults>
</compile_context>

<pallas_src>
import functools

import jax
import jax.numpy as jnp
from jax import lax
from jax.experimental import pallas as pl
from jax.experimental.pallas import tpu as pltpu
from jax.experimental.pallas import tpu_sc as plsc

B = 16
S = 4096
D = 1024
R = 2048
OUT_S = R + 1
NROWS = B * OUT_S
NC = 2
NS = 16
NW = NC * NS
RPW = 1024
TAIL = NROWS - NW * RPW
CH = 32
NCH = RPW // CH


def _make_kernel():
    mesh = plsc.VectorSubcoreMesh(core_axis_name="c", subcore_axis_name="s")

    @functools.partial(
        pl.kernel,
        mesh=mesh,
        out_type=jax.ShapeDtypeStruct((NROWS, D), jnp.float32),
        scratch_types=[
            pltpu.VMEM((RPW + TAIL,), jnp.int32),
            pltpu.VMEM((CH, D), jnp.float32),
            pltpu.VMEM((CH, D), jnp.float32),
            pltpu.VMEM((TAIL, D), jnp.float32),
            pltpu.SemaphoreType.DMA,
            pltpu.SemaphoreType.DMA,
        ],
    )
    def gather_kernel(
        table_hbm, idx_hbm, out_hbm, idx_v, buf0, buf1, tail_buf, s0, s1
    ):
        wid = lax.axis_index("s") * NC + lax.axis_index("c")
        base = wid * RPW

        pltpu.sync_copy(idx_hbm.at[pl.ds(base, RPW)], idx_v.at[pl.ds(0, RPW)])

        def start(c, buf, sem):
            pltpu.async_copy(
                table_hbm.at[idx_v.at[pl.ds(c * CH, CH)]], buf, sem
            )

        def wait(buf, sem):
            pltpu.make_async_copy(table_hbm.at[pl.ds(0, CH)], buf, sem).wait()

        def write(c, buf):
            pltpu.sync_copy(buf, out_hbm.at[pl.ds(base + c * CH, CH)])

        start(0, buf0, s0)

        def chunk_pair(i, carry):
            g = 2 * i
            start(g + 1, buf1, s1)
            wait(buf0, s0)
            write(g, buf0)

            @pl.when(g + 2 < NCH)
            def _():
                start(g + 2, buf0, s0)

            wait(buf1, s1)
            write(g + 1, buf1)
            return carry

        lax.fori_loop(0, NCH // 2, chunk_pair, 0)

        @pl.when(wid == NW - 1)
        def _():
            xbase = NW * RPW
            pltpu.sync_copy(
                idx_hbm.at[pl.ds(xbase, TAIL)], idx_v.at[pl.ds(RPW, TAIL)]
            )
            pltpu.async_copy(
                table_hbm.at[idx_v.at[pl.ds(RPW, TAIL)]], tail_buf, s0
            ).wait()
            pltpu.sync_copy(tail_buf, out_hbm.at[pl.ds(xbase, TAIL)])

    return gather_kernel


_GATHER = _make_kernel()


def kernel(data, remain_idx):
    table = data.reshape(B * S, D)
    boff = jnp.arange(B, dtype=jnp.int32) * S
    idx_t = jnp.concatenate(
        [boff[None, :], remain_idx.astype(jnp.int32).T + 1 + boff[None, :]],
        axis=0,
    ).reshape(NROWS)
    out_flat = _GATHER(table, idx_t)
    return out_flat.reshape(OUT_S, B, D).transpose(1, 0, 2)

# --- scband reference (transcript-rebuilt; emitter-appended) ---
"""Pipeline reference for scband-nlp-remain-4715874091587 (READ-ONLY COPY).

The authoritative reference and input builder live on the scoring server;
editing this copy changes nothing except your own understanding.
"""

import jax, jax.numpy as jnp
import numpy as np


def setup_inputs(seed: int = 0) -> dict:
    key = jax.random.key(seed)
    k1, k2 = jax.random.split(key)
    data = jax.random.normal(k1, (16, 4096, 1024), dtype=jnp.float32)
    # valid_data has seq len 4096 - 1 = 4095, so indices must be in [0, 4095)
    remain_idx = jax.random.randint(k2, (16, 2048), 0, 4095, dtype=jnp.int64 if jax.config.read('jax_enable_x64') else jnp.int32)
    return {"data": data, "remain_idx": remain_idx}


def reference(data, remain_idx):
    # Faithful translation of NlpRemain.forward
    global_token = data[:, :1, :]
    valid_data = data[:, 1:, :]
    # torch.gather(valid_data, index=remain_idx_[:, :, None broadcast over feat], dim=1)
    gathered = jnp.take_along_axis(valid_data, remain_idx[:, :, None], axis=1)
    total_remain_data = jnp.concatenate([global_token, gathered], axis=1)
    return total_remain_data

if __name__ == "__main__":
    import jax
    _d = setup_inputs()
    print(jax.jit(kernel)(*tuple(_d.values())))

</pallas_src>

<mosaic_0001>
#map = affine_map<(d0, d1) -> (0, 0)>
#map1 = affine_map<(d0, d1) -> (0)>
module attributes {stable_mosaic.version = 14 : i64} {
  func.func @gather_kernel(%arg0: i32, %arg1: i32, %arg2: memref<65536x1024xf32, #tpu.memory_space<hbm>>, %arg3: memref<32784xi32, #tpu.memory_space<hbm>>, %arg4: memref<32784x1024xf32, #tpu.memory_space<hbm>>, %arg5: memref<1040xi32, #tpu.memory_space<vmem>>, %arg6: memref<32x1024xf32, #tpu.memory_space<vmem>>, %arg7: memref<32x1024xf32, #tpu.memory_space<vmem>>, %arg8: memref<16x1024xf32, #tpu.memory_space<vmem>>, %arg9: memref<!tpu.dma_semaphore, #tpu.memory_space<semaphore_mem>>, %arg10: memref<!tpu.dma_semaphore, #tpu.memory_space<semaphore_mem>>) attributes {dimension_semantics = [#tpu.dimension_semantics<core_parallel>, #tpu.dimension_semantics<subcore_parallel>], iteration_bounds = array<i64: 2, 16>, scalar_prefetch = 0 : i64, scratch_operands = 6 : i64, tpu.core_type = #tpu.core_type<sc_vector_subcore>, window_params = [{transform_indices = #map}, {transform_indices = #map1}, {transform_indices = #map}]} {
    %mul3A = arith.constant 2 : i32
    %mul3A_0 = arith.muli %arg1, %mul3A : i32
    %add3A = arith.addi %mul3A_0, %arg0 : i32
    %mul3A_1 = arith.constant 1024 : i32
    %mul3A_2 = arith.muli %add3A, %mul3A_1 : i32
    "tpu.region"() ({
      %run_scoped3A = tpu.sem_alloc : memref<!tpu.dma_semaphore, #tpu.memory_space<semaphore_mem>>
      %dma_start3A_14 = arith.constant 0 : i32
      %dma_start3A_15 = tpu.memref_slice %arg5[%dma_start3A_14] : memref<1040xi32, #tpu.memory_space<vmem>> -> memref<1024xi32, #tpu.memory_space<vmem>>
      %dma_start3A_16 = tpu.memref_slice %arg3[%mul3A_2] : memref<32784xi32, #tpu.memory_space<hbm>> -> memref<1024xi32, #tpu.memory_space<hbm>>
      %dma_start3A_17 = arith.constant 0 : i32
      %dma_start3A_18 = tpu.memref_slice %arg5[%dma_start3A_17] : memref<1040xi32, #tpu.memory_space<vmem>> -> memref<1024xi32, #tpu.memory_space<vmem>>
      %dma_start3A_19 = tpu.memref_slice %arg3[%mul3A_2] : memref<32784xi32, #tpu.memory_space<hbm>> -> memref<1024xi32, #tpu.memory_space<hbm>>
      tpu.enqueue_dma source(%dma_start3A_19 : memref<1024xi32, #tpu.memory_space<hbm>>) target(%dma_start3A_18 : memref<1024xi32, #tpu.memory_space<vmem>>) target_semaphore(%run_scoped3A : memref<!tpu.dma_semaphore, #tpu.memory_space<semaphore_mem>>)
      %dma_wait3A = arith.constant 0 : i32
      %dma_wait3A_20 = tpu.memref_slice %arg5[%dma_wait3A] : memref<1040xi32, #tpu.memory_space<vmem>> -> memref<1024xi32, #tpu.memory_space<vmem>>
      %dma_wait3A_21 = tpu.memref_slice %arg3[%mul3A_2] : memref<32784xi32, #tpu.memory_space<hbm>> -> memref<1024xi32, #tpu.memory_space<hbm>>
      %dma_wait3A_22 = arith.constant 0 : i32
      %dma_wait3A_23 = tpu.memref_slice %arg5[%dma_wait3A_22] : memref<1040xi32, #tpu.memory_space<vmem>> -> memref<1024xi32, #tpu.memory_space<vmem>>
      %dma_wait3A_24 = tpu.memref_slice %arg3[%mul3A_2] : memref<32784xi32, #tpu.memory_space<hbm>> -> memref<1024xi32, #tpu.memory_space<hbm>>
      tpu.wait_dma2 semaphore(%run_scoped3A : memref<!tpu.dma_semaphore, #tpu.memory_space<semaphore_mem>>) src(%dma_wait3A_24 : memref<1024xi32, #tpu.memory_space<hbm>>) dst(%dma_wait3A_23 : memref<1024xi32, #tpu.memory_space<vmem>>)
      tpu.yield
    }) : () -> ()
    %dma_start3A = arith.constant 0 : i32
    %dma_start3A_3 = tpu.memref_slice %arg5[%dma_start3A] : memref<1040xi32, #tpu.memory_space<vmem>> -> memref<32xi32, #tpu.memory_space<vmem>>
    %dma_start3A_4 = arith.constant 0 : i32
    %dma_start3A_5 = arith.constant 0 : i32
    %dma_start3A_6 = tpu.memref_slice %arg2[%dma_start3A_4, %dma_start3A_5] : memref<65536x1024xf32, #tpu.memory_space<hbm>> -> memref<65536x1024xf32, #tpu.memory_space<hbm>>
    tpu.enqueue_indirect_dma source(%dma_start3A_6 : memref<65536x1024xf32, #tpu.memory_space<hbm>>) target(%arg6 : memref<32x1024xf32, #tpu.memory_space<vmem>>) offsets(%dma_start3A_3 : memref<32xi32, #tpu.memory_space<vmem>>) semaphore(%arg9 : memref<!tpu.dma_semaphore, #tpu.memory_space<semaphore_mem>>)
    %scan3A = arith.constant 0 : i32
    %scan3A_7 = arith.constant 0 : i32
    %scan3A_8 = arith.constant 16 : i32
    %scan3A_9 = arith.addi %scan3A_7, %scan3A_8 : i32
    %scan3A_10 = arith.constant 1 : i32
    scf.for %scan3A_14 = %scan3A_7 to %scan3A_9 step %scan3A_10  : i32 {
      %mul3A_15 = arith.constant 2 : i32
      %mul3A_16 = arith.muli %mul3A_15, %scan3A_14 : i32
      %add3A_17 = arith.constant 1 : i32
      %add3A_18 = arith.addi %mul3A_16, %add3A_17 : i32
      %mul3A_19 = arith.constant 32 : i32
      %mul3A_20 = arith.muli %add3A_18, %mul3A_19 : i32
      %dma_start3A_21 = tpu.memref_slice %arg5[%mul3A_20] : memref<1040xi32, #tpu.memory_space<vmem>> -> memref<32xi32, #tpu.memory_space<vmem>>
      %dma_start3A_22 = arith.constant 0 : i32
      %dma_start3A_23 = arith.constant 0 : i32
      %dma_start3A_24 = tpu.memref_slice %arg2[%dma_start3A_22, %dma_start3A_23] : memref<65536x1024xf32, #tpu.memory_space<hbm>> -> memref<65536x1024xf32, #tpu.memory_space<hbm>>
      tpu.enqueue_indirect_dma source(%dma_start3A_24 : memref<65536x1024xf32, #tpu.memory_space<hbm>>) target(%arg7 : memref<32x1024xf32, #tpu.memory_space<vmem>>) offsets(%dma_start3A_21 : memref<32xi32, #tpu.memory_space<vmem>>) semaphore(%arg10 : memref<!tpu.dma_semaphore, #tpu.memory_space<semaphore_mem>>)
      %dma_wait3A = arith.constant 0 : i32
      %dma_wait3A_25 = arith.constant 0 : i32
      %dma_wait3A_26 = tpu.memref_slice %arg2[%dma_wait3A, %dma_wait3A_25] : memref<65536x1024xf32, #tpu.memory_space<hbm>> -> memref<32x1024xf32, #tpu.memory_space<hbm>>
      %dma_wait3A_27 = arith.constant 0 : i32
      %dma_wait3A_28 = arith.constant 0 : i32
      %dma_wait3A_29 = tpu.memref_slice %arg2[%dma_wait3A_27, %dma_wait3A_28] : memref<65536x1024xf32, #tpu.memory_space<hbm>> -> memref<32x1024xf32, #tpu.memory_space<hbm>>
      tpu.wait_dma2 semaphore(%arg9 : memref<!tpu.dma_semaphore, #tpu.memory_space<semaphore_mem>>) src(%dma_wait3A_29 : memref<32x1024xf32, #tpu.memory_space<hbm>>) dst(%arg6 : memref<32x1024xf32, #tpu.memory_space<vmem>>)
      %mul3A_30 = arith.constant 32 : i32
      %mul3A_31 = arith.muli %mul3A_16, %mul3A_30 : i32
      %add3A_32 = arith.addi %mul3A_2, %mul3A_31 : i32
      "tpu.region"() ({
        %run_scoped3A = tpu.sem_alloc : memref<!tpu.dma_semaphore, #tpu.memory_space<semaphore_mem>>
        %dma_start3A_50 = arith.constant 0 : i32
        %dma_start3A_51 = tpu.memref_slice %arg4[%add3A_32, %dma_start3A_50] : memref<32784x1024xf32, #tpu.memory_space<hbm>> -> memref<32x1024xf32, #tpu.memory_space<hbm>>
        %dma_start3A_52 = arith.constant 0 : i32
        %dma_start3A_53 = tpu.memref_slice %arg4[%add3A_32, %dma_start3A_52] : memref<32784x1024xf32, #tpu.memory_space<hbm>> -> memref<32x1024xf32, #tpu.memory_space<hbm>>
        tpu.enqueue_dma source(%arg6 : memref<32x1024xf32, #tpu.memory_space<vmem>>) target(%dma_start3A_53 : memref<32x1024xf32, #tpu.memory_space<hbm>>) target_semaphore(%run_scoped3A : memref<!tpu.dma_semaphore, #tpu.memory_space<semaphore_mem>>)
        %dma_wait3A_54 = arith.constant 0 : i32
        %dma_wait3A_55 = tpu.memref_slice %arg4[%add3A_32, %dma_wait3A_54] : memref<32784x1024xf32, #tpu.memory_space<hbm>> -> memref<32x1024xf32, #tpu.memory_space<hbm>>
        %dma_wait3A_56 = arith.constant 0 : i32
        %dma_wait3A_57 = tpu.memref_slice %arg4[%add3A_32, %dma_wait3A_56] : memref<32784x1024xf32, #tpu.memory_space<hbm>> -> memref<32x1024xf32, #tpu.memory_space<hbm>>
        tpu.wait_dma2 semaphore(%run_scoped3A : memref<!tpu.dma_semaphore, #tpu.memory_space<semaphore_mem>>) src(%arg6 : memref<32x1024xf32, #tpu.memory_space<vmem>>) dst(%dma_wait3A_57 : memref<32x1024xf32, #tpu.memory_space<hbm>>)
        tpu.yield
      }) : () -> ()
      %add3A_33 = arith.constant 2 : i32
      %add3A_34 = arith.addi %mul3A_16, %add3A_33 : i32
      %lt3A = arith.constant 32 : i32
      %lt3A_35 = arith.cmpi slt, %add3A_34, %lt3A : i32
      %convert_element_type3A_36 = arith.extui %lt3A_35 : i1 to i32
      %cond3A_37 = arith.constant 0 : i32
      %cond3A_38 = arith.cmpi ne, %convert_element_type3A_36, %cond3A_37 : i32
      scf.if %cond3A_38 {
        %add3A_50 = arith.constant 2 : i32
        %add3A_51 = arith.addi %mul3A_16, %add3A_50 : i32
        %mul3A_52 = arith.constant 32 : i32
        %mul3A_53 = arith.muli %add3A_51, %mul3A_52 : i32
        %dma_start3A_54 = tpu.memref_slice %arg5[%mul3A_53] : memref<1040xi32, #tpu.memory_space<vmem>> -> memref<32xi32, #tpu.memory_space<vmem>>
        %dma_start3A_55 = arith.constant 0 : i32
        %dma_start3A_56 = arith.constant 0 : i32
        %dma_start3A_57 = tpu.memref_slice %arg2[%dma_start3A_55, %dma_start3A_56] : memref<65536x1024xf32, #tpu.memory_space<hbm>> -> memref<65536x1024xf32, #tpu.memory_space<hbm>>
        tpu.enqueue_indirect_dma source(%dma_start3A_57 : memref<65536x1024xf32, #tpu.memory_space<hbm>>) target(%arg6 : memref<32x1024xf32, #tpu.memory_space<vmem>>) offsets(%dma_start3A_54 : memref<32xi32, #tpu.memory_space<vmem>>) semaphore(%arg9 : memref<!tpu.dma_semaphore, #tpu.memory_space<semaphore_mem>>)
      } else {
      }
      %dma_wait3A_39 = arith.constant 0 : i32
      %dma_wait3A_40 = arith.constant 0 : i32
      %dma_wait3A_41 = tpu.memref_slice %arg2[%dma_wait3A_39, %dma_wait3A_40] : memref<65536x1024xf32, #tpu.memory_space<hbm>> -> memref<32x1024xf32, #tpu.memory_space<hbm>>
      %dma_wait3A_42 = arith.constant 0 : i32
      %dma_wait3A_43 = arith.constant 0 : i32
      %dma_wait3A_44 = tpu.memref_slice %arg2[%dma_wait3A_42, %dma_wait3A_43] : memref<65536x1024xf32, #tpu.memory_space<hbm>> -> memref<32x1024xf32, #tpu.memory_space<hbm>>
      tpu.wait_dma2 semaphore(%arg10 : memref<!tpu.dma_semaphore, #tpu.memory_space<semaphore_mem>>) src(%dma_wait3A_44 : memref<32x1024xf32, #tpu.memory_space<hbm>>) dst(%arg7 : memref<32x1024xf32, #tpu.memory_space<vmem>>)
      %add3A_45 = arith.constant 1 : i32
      %add3A_46 = arith.addi %mul3A_16, %add3A_45 : i32
      %mul3A_47 = arith.constant 32 : i32
      %mul3A_48 = arith.muli %add3A_46, %mul3A_47 : i32
      %add3A_49 = arith.addi %mul3A_2, %mul3A_48 : i32
      "tpu.region"() ({
        %run_scoped3A = tpu.sem_alloc : memref<!tpu.dma_semaphore, #tpu.memory_space<semaphore_mem>>
        %dma_start3A_50 = arith.constant 0 : i32
        %dma_start3A_51 = tpu.memref_slice %arg4[%add3A_49, %dma_start3A_50] : memref<32784x1024xf32, #tpu.memory_space<hbm>> -> memref<32x1024xf32, #tpu.memory_space<hbm>>
        %dma_start3A_52 = arith.constant 0 : i32
        %dma_start3A_53 = tpu.memref_slice %arg4[%add3A_49, %dma_start3A_52] : memref<32784x1024xf32, #tpu.memory_space<hbm>> -> memref<32x1024xf32, #tpu.memory_space<hbm>>
        tpu.enqueue_dma source(%arg7 : memref<32x1024xf32, #tpu.memory_space<vmem>>) target(%dma_start3A_53 : memref<32x1024xf32, #tpu.memory_space<hbm>>) target_semaphore(%run_scoped3A : memref<!tpu.dma_semaphore, #tpu.memory_space<semaphore_mem>>)
        %dma_wait3A_54 = arith.constant 0 : i32
        %dma_wait3A_55 = tpu.memref_slice %arg4[%add3A_49, %dma_wait3A_54] : memref<32784x1024xf32, #tpu.memory_space<hbm>> -> memref<32x1024xf32, #tpu.memory_space<hbm>>
        %dma_wait3A_56 = arith.constant 0 : i32
        %dma_wait3A_57 = tpu.memref_slice %arg4[%add3A_49, %dma_wait3A_56] : memref<32784x1024xf32, #tpu.memory_space<hbm>> -> memref<32x1024xf32, #tpu.memory_space<hbm>>
        tpu.wait_dma2 semaphore(%run_scoped3A : memref<!tpu.dma_semaphore, #tpu.memory_space<semaphore_mem>>) src(%arg7 : memref<32x1024xf32, #tpu.memory_space<vmem>>) dst(%dma_wait3A_57 : memref<32x1024xf32, #tpu.memory_space<hbm>>)
        tpu.yield
      }) : () -> ()
    }
    %scan3A_11 = arith.constant 16 : i32
    %eq3A = arith.constant 31 : i32
    %eq3A_12 = arith.cmpi eq, %add3A, %eq3A : i32
    %convert_element_type3A = arith.extui %eq3A_12 : i1 to i32
    %cond3A = arith.constant 0 : i32
    %cond3A_13 = arith.cmpi ne, %convert_element_type3A, %cond3A : i32
    scf.if %cond3A_13 {
      "tpu.region"() ({
        %run_scoped3A = tpu.sem_alloc : memref<!tpu.dma_semaphore, #tpu.memory_space<semaphore_mem>>
        %dma_start3A_23 = arith.constant 1024 : i32
        %dma_start3A_24 = tpu.memref_slice %arg5[%dma_start3A_23] : memref<1040xi32, #tpu.memory_space<vmem>> -> memref<16xi32, #tpu.memory_space<vmem>>
        %dma_start3A_25 = arith.constant 32768 : i32
        %dma_start3A_26 = tpu.memref_slice %arg3[%dma_start3A_25] : memref<32784xi32, #tpu.memory_space<hbm>> -> memref<16xi32, #tpu.memory_space<hbm>>
        %dma_start3A_27 = arith.constant 1024 : i32
        %dma_start3A_28 = tpu.memref_slice %arg5[%dma_start3A_27] : memref<1040xi32, #tpu.memory_space<vmem>> -> memref<16xi32, #tpu.memory_space<vmem>>
        %dma_start3A_29 = arith.constant 32768 : i32
        %dma_start3A_30 = tpu.memref_slice %arg3[%dma_start3A_29] : memref<32784xi32, #tpu.memory_space<hbm>> -> memref<16xi32, #tpu.memory_space<hbm>>
        tpu.enqueue_dma source(%dma_start3A_30 : memref<16xi32, #tpu.memory_space<hbm>>) target(%dma_start3A_28 : memref<16xi32, #tpu.memory_space<vmem>>) target_semaphore(%run_scoped3A : memref<!tpu.dma_semaphore, #tpu.memory_space<semaphore_mem>>)
        %dma_wait3A_31 = arith.constant 1024 : i32
        %dma_wait3A_32 = tpu.memref_slice %arg5[%dma_wait3A_31] : memref<1040xi32, #tpu.memory_space<vmem>> -> memref<16xi32, #tpu.memory_space<vmem>>
        %dma_wait3A_33 = arith.constant 32768 : i32
        %dma_wait3A_34 = tpu.memref_slice %arg3[%dma_wait3A_33] : memref<32784xi32, #tpu.memory_space<hbm>> -> memref<16xi32, #tpu.memory_space<hbm>>
        %dma_wait3A_35 = arith.constant 1024 : i32
        %dma_wait3A_36 = tpu.memref_slice %arg5[%dma_wait3A_35] : memref<1040xi32, #tpu.memory_space<vmem>> -> memref<16xi32, #tpu.memory_space<vmem>>
        %dma_wait3A_37 = arith.constant 32768 : i32
        %dma_wait3A_38 = tpu.memref_slice %arg3[%dma_wait3A_37] : memref<32784xi32, #tpu.memory_space<hbm>> -> memref<16xi32, #tpu.memory_space<hbm>>
        tpu.wait_dma2 semaphore(%run_scoped3A : memref<!tpu.dma_semaphore, #tpu.memory_space<semaphore_mem>>) src(%dma_wait3A_38 : memref<16xi32, #tpu.memory_space<hbm>>) dst(%dma_wait3A_36 : memref<16xi32, #tpu.memory_space<vmem>>)
        tpu.yield
      }) : () -> ()
      %dma_start3A_14 = arith.constant 1024 : i32
      %dma_start3A_15 = tpu.memref_slice %arg5[%dma_start3A_14] : memref<1040xi32, #tpu.memory_space<vmem>> -> memref<16xi32, #tpu.memory_space<vmem>>
      %dma_start3A_16 = arith.constant 0 : i32
      %dma_start3A_17 = arith.constant 0 : i32
      %dma_start3A_18 = tpu.memref_slice %arg2[%dma_start3A_16, %dma_start3A_17] : memref<65536x1024xf32, #tpu.memory_space<hbm>> -> memref<65536x1024xf32, #tpu.memory_space<hbm>>
      tpu.enqueue_indirect_dma source(%dma_start3A_18 : memref<65536x1024xf32, #tpu.memory_space<hbm>>) target(%arg8 : memref<16x1024xf32, #tpu.memory_space<vmem>>) offsets(%dma_start3A_15 : memref<16xi32, #tpu.memory_space<vmem>>) semaphore(%arg9 : memref<!tpu.dma_semaphore, #tpu.memory_space<semaphore_mem>>)
      %dma_wait3A = arith.constant 1024 : i32
      %dma_wait3A_19 = tpu.memref_slice %arg5[%dma_wait3A] : memref<1040xi32, #tpu.memory_space<vmem>> -> memref<16xi32, #tpu.memory_space<vmem>>
      %dma_wait3A_20 = arith.constant 0 : i32
      %dma_wait3A_21 = arith.constant 0 : i32
      %dma_wait3A_22 = tpu.memref_slice %arg2[%dma_wait3A_20, %dma_wait3A_21] : memref<65536x1024xf32, #tpu.memory_space<hbm>> -> memref<65536x1024xf32, #tpu.memory_space<hbm>>
      tpu.wait_indirect_dma semaphore(%arg9 : memref<!tpu.dma_semaphore, #tpu.memory_space<semaphore_mem>>) src(%dma_wait3A_22 : memref<65536x1024xf32, #tpu.memory_space<hbm>>) dst(%arg8 : memref<16x1024xf32, #tpu.memory_space<vmem>>)
      "tpu.region"() ({
        %run_scoped3A = tpu.sem_alloc : memref<!tpu.dma_semaphore, #tpu.memory_space<semaphore_mem>>
        %dma_start3A_23 = arith.constant 32768 : i32
        %dma_start3A_24 = arith.constant 0 : i32
        %dma_start3A_25 = tpu.memref_slice %arg4[%dma_start3A_23, %dma_start3A_24] : memref<32784x1024xf32, #tpu.memory_space<hbm>> -> memref<16x1024xf32, #tpu.memory_space<hbm>>
        %dma_start3A_26 = arith.constant 32768 : i32
        %dma_start3A_27 = arith.constant 0 : i32
        %dma_start3A_28 = tpu.memref_slice %arg4[%dma_start3A_26, %dma_start3A_27] : memref<32784x1024xf32, #tpu.memory_space<hbm>> -> memref<16x1024xf32, #tpu.memory_space<hbm>>
        tpu.enqueue_dma source(%arg8 : memref<16x1024xf32, #tpu.memory_space<vmem>>) target(%dma_start3A_28 : memref<16x1024xf32, #tpu.memory_space<hbm>>) target_semaphore(%run_scoped3A : memref<!tpu.dma_semaphore, #tpu.memory_space<semaphore_mem>>)
        %dma_wait3A_29 = arith.constant 32768 : i32
        %dma_wait3A_30 = arith.constant 0 : i32
        %dma_wait3A_31 = tpu.memref_slice %arg4[%dma_wait3A_29, %dma_wait3A_30] : memref<32784x1024xf32, #tpu.memory_space<hbm>> -> memref<16x1024xf32, #tpu.memory_space<hbm>>
        %dma_wait3A_32 = arith.constant 32768 : i32
        %dma_wait3A_33 = arith.constant 0 : i32
        %dma_wait3A_34 = tpu.memref_slice %arg4[%dma_wait3A_32, %dma_wait3A_33] : memref<32784x1024xf32, #tpu.memory_space<hbm>> -> memref<16x1024xf32, #tpu.memory_space<hbm>>
        tpu.wait_dma2 semaphore(%run_scoped3A : memref<!tpu.dma_semaphore, #tpu.memory_space<semaphore_mem>>) src(%arg8 : memref<16x1024xf32, #tpu.memory_space<vmem>>) dst(%dma_wait3A_34 : memref<16x1024xf32, #tpu.memory_space<hbm>>)
        tpu.yield
      }) : () -> ()
    } else {
    }
    return
  }
}

</mosaic_0001>

<sc_bundles>
// kernel: kernel.3.cloned.1.call-start
scs
__scs_entry_jumppad:
0x0: {  	(pc) =	sbr.rel $0x88, $3  }
0x1: {  	(tag) =	ssettag $0x0;
	lr =	simm.s32 $0x1  }
0x2: {  	[smem:$0x3F9F] =	sst lr;
	_ =	strace $0xD0000000  }
0x3: {  	_ = 	snop  }
0x4: {  	_ = 	snop  }
0x5: {  	_ = 	snop  }
0x6: {  	_ = 	snop  }
0x7: {  	_ = 	snop  }
__scs_overlays_trampoline_lowered:
0x8: {  	[smem:$0x3FAE] =	sst s0  }
0x9: {  	[smem:$0x3FAF] =	sst s1  }
0xa: {  	[smem:$0x3FB0] =	sst s2  }
0xb: {  	[smem:$0x3FB1] =	sst s3  }
0xc: {  	[smem:$0x3FB2] =	sst s4  }
0xd: {  	[smem:$0x3FB3] =	sst s5  }
0xe: {  	[smem:$0x3FB4] =	sst s6  }
0xf: {  	[smem:$0x3FB5] =	sst s7  }
0x10: {  	[smem:$0x3FB6] =	sst s8  }
0x11: {  	[smem:$0x3FB7] =	sst s9;
	s0 =	simm.s32 @!p0 $0x0  }
0x12: {  	s1 =	sld [smem:$0x3F9D];
	s0 =	simm.s32 @p0 $0x1  }
0x13: {  	[smem:$0x3FB8] =	sst s0;
	s0 =	simm.s32 @!p1 $0x0  }
0x14: {  	s2 =	sld [smem:$0x3F9C];
	s0 =	simm.s32 @p1 $0x1  }
0x15: {  	[smem:$0x3FB9] =	sst s0;
	s0 =	simm.s32 @!p2 $0x0  }
0x16: {  	s3 =	sld [smem:$0x3FDB];
	s0 =	simm.s32 @p2 $0x1  }
0x17: {  	s4 =	simm.s32 $0x1BF5;
	[smem:$0x3FBB] =	sst s0  }
0x18: {  	s0 =	sld [smem:$0x3F9E];
	_ =	swait.ge [sflag:s4], $0x0  }
0x19: {  	s7 =	sld [smem:$0x3F9F]  }
0x1a: {  	s8 =	sadd.s32 $0xFFFFE003, lr  }
0x1b: {  	s9 =	sadd.s32 $0xFFFFFEF7, lr;
	s5 =	simm.s32 $0xFFFFFFFF;
	p2 =	slt.u32 s8, $0xFFFFF086  }
0x1c: {  	p1 =	slt.u32 s9, $0xF7A;
	s5 =	simm.s32 @!p2 $0x0  }
0x1d: {  	s5 =	simm.s32 @p1 $0x1;
	p0 =	seq.s32 s7, s2  }
0x1e: {  	s7 =	smul.u32 @!p0 $0xF7A, s2;
	p2 =	seq.s32 @!p0 s5, $0x0  }
0x1f: {  	s9 =	smul.u32 $0xF7A, s1;
	s8 =	simm.s32 @!p0 $0x1BF5;
	p2 =	por !p2, p0  }
0x20: {  	[sflag:s8] =	ssyncset.s32 @!p0 $0xFFFFF086;
	s6 =	sadd.s32 @!p0 s3, s7;
	s7 =	simm.s32 @!p0 $0x108  }
0x21: {  	s3 =	sadd.s32 s3, s9;
	s6 =	sadd.s32 @!p0 $0x88, s6;
	s7 =	simm.s32 @p2 $0x1082  }
0x22: {  	[simem:s7], [sflag:s8] =	dma.local @!p0 [hbm:s6], $0xF7A  }
0x23: {  	s9 =	sor.u32 $0xD0000000, s2;
	s6 =	simm.s32 $0x108;
	_ =	swait.ge @!p0 [sflag:s8], $0x0  }
0x24: {  	s3 =	sadd.s32 $0x88, s3;
	s6 =	simm.s32 @!p1 $0x1082;
	[sflag:s4] =	ssyncset.s32 $0xFFFFF086  }
0x25: {  	[simem:s6], [sflag:s4] =	dma.local [hbm:s3], $0xF7A  }
0x26: {  	[smem:$0x3F9F] =	sst s1;
	(tag) =	ssettag s2;
	_ =	strace s9  }
0x27: {  	s1 =	sld [smem:$0x3FAF]  }
0x28: {  	s2 =	sld [smem:$0x3FB0]  }
0x29: {  	s4 =	sld [smem:$0x3FB2]  }
0x2a: {  	p0 =	seq.s32 s5, $0x0;
	s5 =	sld [smem:$0x3FB3]  }
0x2b: {  	s6 =	sld [smem:$0x3FB4]  }
0x2c: {  	s7 =	sld [smem:$0x3FB5]  }
0x2d: {  	s3 =	simm.s32 $0x108;
	s8 =	sld [smem:$0x3FB6]  }
0x2e: {  	s3 =	simm.s32 @!p0 $0x1082;
	s9 =	sld [smem:$0x3FB7]  }
0x2f: {  	lr =	sadd.s32 s0, s3;
	s0 =	sld [smem:$0x3FAE]  }
0x30: {  	s3 =	sld [smem:$0x3FB1]  }
0x31: {  	[smem:$0x3FBA] =	sst s10  }
0x32: {  	s10 =	sld [smem:$0x3FB8];
	_ =	sdelay $0x3  }
0x33: {  	p0 =	seq.s32 s10, $0x1;
	s10 =	sld [smem:$0x3FBA];
	_ =	sdelay $0x3  }
0x34: {  	[smem:$0x3FBA] =	sst s10  }
0x35: {  	s10 =	sld [smem:$0x3FB9];
	_ =	sdelay $0x3  }
0x36: {  	p1 =	seq.s32 s10, $0x1;
	s10 =	sld [smem:$0x3FBA];
	_ =	sdelay $0x3  }
0x37: {  	[smem:$0x3FBA] =	sst s10  }
0x38: {  	s10 =	sld [smem:$0x3FBB]  }
0x39: {  	_ = 	snop;
	(pc) =	sbr.ind lr, $3  }
0x3a: {  	_ = 	snop  }
0x3b: {  	_ = 	snop  }
0x3c: {  	p2 =	seq.s32 s10, $0x1;
	s10 =	sld [smem:$0x3FBA]  }
0x3d: {  	_ =	shalt  }
0x3e: {  	_ =	shalt  }
0x3f: {  	_ =	shalt  }
0x40: {  	_ =	shalt  }
0x41: {  	_ =	shalt  }
0x42: {  	_ =	shalt  }
0x43: {  	_ =	shalt  }
0x44: {  	_ =	shalt  }
0x45: {  	_ =	shalt  }
0x46: {  	_ =	shalt  }
0x47: {  	_ =	shalt  }
0x48: {  	_ =	shalt  }
0x49: {  	_ =	shalt  }
0x4a: {  	_ =	shalt  }
0x4b: {  	_ =	shalt  }
0x4c: {  	_ =	shalt  }
0x4d: {  	_ =	shalt  }
0x4e: {  	_ =	shalt  }
0x4f: {  	_ =	shalt  }
0x50: {  	_ =	shalt  }
0x51: {  	_ =	shalt  }
0x52: {  	_ =	shalt  }
0x53: {  	_ =	shalt  }
0x54: {  	_ =	shalt  }
0x55: {  	_ =	shalt  }
0x56: {  	_ =	shalt  }
0x57: {  	_ =	shalt  }
0x58: {  	_ =	shalt  }
0x59: {  	_ =	shalt  }
0x5a: {  	_ =	shalt  }
0x5b: {  	_ =	shalt  }
0x5c: {  	_ =	shalt  }
0x5d: {  	_ =	shalt  }
0x5e: {  	_ =	shalt  }
0x5f: {  	_ =	shalt  }
0x60: {  	_ =	shalt  }
0x61: {  	_ =	shalt  }
0x62: {  	_ =	shalt  }
0x63: {  	_ =	shalt  }
0x64: {  	_ =	shalt  }
0x65: {  	_ =	shalt  }
0x66: {  	_ =	shalt  }
0x67: {  	_ =	shalt  }
0x68: {  	_ =	shalt  }
0x69: {  	_ =	shalt  }
0x6a: {  	_ =	shalt  }
0x6b: {  	_ =	shalt  }
0x6c: {  	_ =	shalt  }
0x6d: {  	_ =	shalt  }
0x6e: {  	_ =	shalt  }
0x6f: {  	_ =	shalt  }
0x70: {  	_ =	shalt  }
0x71: {  	_ =	shalt  }
0x72: {  	_ =	shalt  }
0x73: {  	_ =	shalt  }
0x74: {  	_ =	shalt  }
0x75: {  	_ =	shalt  }
0x76: {  	_ =	shalt  }
0x77: {  	_ =	shalt  }
0x78: {  	_ =	shalt  }
0x79: {  	_ =	shalt  }
0x7a: {  	_ =	shalt  }
0x7b: {  	_ =	shalt  }
0x7c: {  	_ =	shalt  }
0x7d: {  	_ =	shalt  }
0x7e: {  	_ =	shalt  }
0x7f: {  	_ =	shalt  }
0x80: {  	_ =	shalt  }
0x81: {  	_ =	shalt  }
0x82: {  	_ =	shalt  }
0x83: {  	_ =	shalt  }
0x84: {  	_ =	shalt  }
0x85: {  	_ =	shalt  }
0x86: {  	_ =	shalt  }
0x87: {  	_ =	shalt  }
.Lfunc_end0:
.L_simem_size_0:
called_computation_lowered:
.L_overlay_start_0:
0x88: {  	s2 =	sld [smem:$0x3FD9]  }
0x89: {  	s3 =	sld [smem:$0x3FFE];
	_ =	sdelay $0x1  }
0x8a: {  	s1 =	srdreg.scid  }
0x8b: {  	s0 =	sand.u32 $0x1, s1  }
0x8c: {  	s17 =	sshll.u32 s0, $0xA;
	s2 =	sadd.s32 s3, s2  }
0x8d: {  	s2 =	sadd.s32 s2, s17  }
0x8e: {  	[smem:$0x3FC6] =	sst s2  }
0x8f: {  	_ = 	snop  }
0x90: {  	s2 =	sld [smem:$0x3FC9]  }
0x91: {  	s18 =	sld [smem:$0x3FD0];
	(tm) =	ssettm $0x1  }
0x92: {  	s4 =	sld [smem:$0x3FFB];
	_ =	sdelay $0x3  }
0x93: {  	_ =	strace s4  }
0x94: {  	s4 =	sld [smem:$0x3FFC];
	_ =	sdelay $0x3  }
0x95: {  	_ =	strace s4  }
0x96: {  	s4 =	sld [smem:$0x3FFD];
	_ =	sdelay $0x3  }
0x97: {  	_ =	strace s4  }
0x98: {  	_ =	strace $0x8FFFFFFF  }
0x99: {  	s19 =	sld [smem:$0x3FDB];
	_ =	sdelay $0x1  }
0x9a: {  	s5 =	simm.s32 $_scs_section_size  }
0x9b: {  	s6 =	simm.s32 $_size__tile_overlayer_lowered;
	s7 =	simm.s32 $_tile_overlayer_lowered  }
0x9c: {  	s22 =	simm.s32 $0x1BFF;
	s21 =	sshll.u32 s7, $0x1;
	s4 =	sadd.s32 s5, s19  }
0x9d: {  	s8 =	simm.s32 $0x0;
	s20 =	sshll.u32 s6, $0x1;
	s6 =	sadd.s32 s21, s4  }
0x9e: {  	[timem:s8], [sflag:s22] =	dma.local [hbm:s6], s20  }
0x9f: {  	_ =	swait.ge [sflag:s22], s20  }
0xa0: {  	s5 =	ssub.s32 $0x0, s20;
	[sflag:s22] =	ssyncset.done $0x0  }
0xa1: {  	[sflag:s22] =	ssyncadd.s32 s5;
	_ =	sdelay $0x1  }
0xa2: {  	s23 =	simm.s32 $0x1B8B  }
0xa3: {  	_ =	swait.ge [sflag:s23], $0x1  }
0xa4: {  	[sflag:s23] =	ssyncset.done $0x0  }
0xa5: {  	s25 =	simm.s32 $0x1B8E;
	s24 =	sld [smem:$0x3FFE];
	[sflag:s23] =	ssyncadd.s32 $0xFFFFFFFF  }
0xa6: {  	s26 =	simm.s32 $execute0_lowered;
	[smem:$0x3FD2] =	sst s25  }
0xa7: {  	s6 =	sshll.u32 s26, $0x1;
	_ =	strace $0x80000046;
	[dreg:$0x1] =	wrdreg $0xFFFFFFFF  }
0xa8: {  	s28 =	simm.s32 $_size_execute0_lowered;
	s4 =	sadd.s32 s4, s6;
	[dreg:$0x0] =	wrdreg $0x0  }
0xa9: {  	s6 =	sshll.u32 s28, $0x1;
	[dreg:$0x2] =	wrdreg s4  }
0xaa: {  	[dreg:$0x3] =	wrdreg s6  }
0xab: {  	[dreg:$0x4] =	wrdreg $0xC0  }
0xac: {  	_ =	task [dreg:s8], $0x5FFFF  }
0xad: {  	[dreg:$0x1] =	wrdreg $0xFFFFFFFF  }
0xae: {  	[dreg:$0x0] =	wrdreg $0x60  }
0xaf: {  	[dreg:$0x2] =	wrdreg s2  }
0xb0: {  	[dreg:$0x3] =	wrdreg s24  }
0xb1: {  	[dreg:$0x4] =	wrdreg s18  }
0xb2: {  	[dreg:$0x5] =	wrdreg $0x9  }
0xb3: {  	_ =	task.clear_ibuf [dreg:s8], $0x6FFFF;
	_ =	strace $0x90000046  }
0xb4: {  	s29 =	simm.s32 $0x9;
	_ =	strace $0x80000048  }
0xb5: {  	_ =	swait.ge [sflag:s29], $0x1  }
0xb6: {  	[sflag:s29] =	ssyncadd.s32 $0xFFFFFFFF  }
0xb7: {  	_ =	strace $0x90000048  }
0xb8: {  	_ =	sfence  }
0xb9: {  	s30 =	sld [smem:$0x0];
	_ =	sdelay $0x2  }
0xba: {  	s31 =	sshll.u32 s1, $0xD;
	s1 =	sshrl.u32 s1, $0x2  }
0xbb: {  	s3 =	sand.u32 $0x4000, s31;
	s1 =	sadd.s32 s1, s30  }
0xbc: {  	s0 =	sor.u32 s3, s0;
	s1 =	sshll.u32 s1, $0x11  }
0xbd: {  	s0 =	sor.u32 s1, s0  }
0xbe: {  	s0 =	sadd.s32 $0x8F2B, s0  }
0xbf: {  	[sflag:s0] =	ssyncadd.remote.s32 $0x1  }
0xc0: {  	_ =	sfence.sel $0xFFFF  }
0xc1: {  	[dreg:$0x0] =	wrdreg $0xFFFFFFFF;
	(pc) =	sbr.abs _section_cstart, $3  }
0xc2: {  	[dreg:$0x1] =	wrdreg $0xFFFFFFFF  }
0xc3: {  	_ =	task.clear_ibuf [dreg:s8], $0x2FFFF;
	_ =	strace $0x9FFFFFFF  }
0xc4: {  	(tm) =	ssettm $0x7FFFFFFF  }
0xc5: {  	_ =	shalt  }
tec
execute0_lowered:
.L_overlay_start_1:
0x0: {  	(tag) =	ssettag $0x1  }
0x1: {  	s1 =	rddreg [dreg:$0x0]  }
0x2: {  	s0 =	rddreg [dreg:$0x1];
	s2 =	srdreg.scid  }
0x3: {  	s8 =	stileid.u32;
	s9 =	rddreg [dreg:$0x2];
	s3 =	simm.s32 $0x0  }
0x4: {  	s14 =	simm.s32 $0x8C80;
	s15 =	simm.s32 $0x9480;
	s16 =	simm.s32 $0x9C80  }
0x5: {  	s17 =	simm.s32 $0xA480;
	s18 =	simm.s32 $0xAC80;
	s19 =	simm.s32 $0xB480  }
0x6: {  	s20 =	simm.s32 $0xBC80;
	s21 =	simm.s32 $0xC480;
	[smem:$0x7FF] =	sst s3  }
0x7: {  	s22 =	simm.s32 $0xCC80;
	_ =	strace $0x80000047;
	[dreg:$0x5] =	wrdreg s14  }
0x8: {  	s23 =	simm.s32 $0xD480;
	s24 =	simm.s32 $0xDC80;
	[dreg:$0x6] =	wrdreg s15  }
0x9: {  	s25 =	simm.s32 $0xE480;
	s26 =	simm.s32 $0xEC80;
	[dreg:$0x7] =	wrdreg s16  }
0xa: {  	s28 =	simm.s32 $0x7C80;
	s29 =	simm.s32 $0x8480;
	[dreg:$0x8] =	wrdreg s17  }
0xb: {  	s30 =	simm.s32 $0xF480;
	s31 =	simm.s32 $0xFC80;
	[dreg:$0x9] =	wrdreg s18  }
0xc: {  	s2 =	sand.u32 $0x1, s2;
	s4 =	sshll.u32 s8, $0x1;
	[dreg:$0xa] =	wrdreg s19  }
0xd: {  	s7 =	sadd.s32 $0x300, s1;
	s11 =	sshll.u32 s8, $0x12;
	[dreg:$0xb] =	wrdreg s20  }
0xe: {  	s8 =	sadd.s32 $0x1400, s0;
	s13 =	sor.u32 s2, s4;
	[dreg:$0xc] =	wrdreg s21  }
0xf: {  	s5 =	ssub.s32 $0x2, s2;
	s12 =	sadd.s32 s11, s9;
	[dreg:$0xd] =	wrdreg s22  }
0x10: {  	s2 =	sshll.u32 s2, $0x11;
	s9 =	sadd.s32 $0x400000, s9;
	[dreg:$0xe] =	wrdreg s23  }
0x11: {  	s11 =	simm.s32 $0x3;
	s19 =	simm.s32 $0x3C80;
	[dreg:$0xf] =	wrdreg s24  }
0x12: {  	s20 =	simm.s32 $0x4480;
	s21 =	simm.s32 $0x4C80;
	[dreg:$0x10] =	wrdreg s25  }
0x13: {  	s22 =	simm.s32 $0x5480;
	s23 =	simm.s32 $0x5C80;
	[dreg:$0x11] =	wrdreg s26  }
0x14: {  	s24 =	simm.s32 $0x6480;
	s25 =	simm.s32 $0x6C80;
	s26 =	simm.s32 $0x7480  }
0x15: {  	s4 =	sshll.u32 s13, $0x7;
	s6 =	sshrl.u32 s5, $0x1;
	p0 =	sne.s32 s13, $0x1F  }
0x16: {  	s13 =	simm.s32 $0x0;
	s4 =	sadd.s32 s4, s0;
	s10 =	ssub.s32 s5, s6  }
0x17: {  	v2 =	vlaneseq.u32;
	s5 =	sadd.s32 $0x100, s1;
	s6 =	sadd.s32 $0x200, s1;
	s0 =	sadd.s32 s2, s12  }
0x18: {  	vm0 =	vmmov $0xffff;
	v1 =	vshrl.u32 v2, $0x3;
	v0 =	vand.u32 $0x7, v2;
	s12 =	simm.s32 $0x480;
	s2 =	simm.s32 $0x1;
	s4 =	sadd.s32 $0x400, s4  }
0x19: {  	v2 =	vor.u32 $0x8, v2;
	v1 =	vmul.u32 $0x8, v1;
	vm1 =	vmmov @!p0 $0xffff;
	s10 =	smax.u32 s10, $0x1;
	[dreg:$0x4] =	wrdreg s0;
	s0 =	simm.s32 $0x2  }
.LBB2_1:
0x1a: {  	[tilespmem:s3], [sflag:$0x3] =	stream.linear.gather [hbm4b:s4+s3], $0x400, $0x38;
	[tilespmem:$0x14480] =	vst v63  }
0x1b: {  	_ =	swait.ge [sflag:s11], $0x400  }
0x1c: {  	[sflag:s11] =	ssyncset.done $0x0  }
0x1d: {  	[sflag:s11] =	ssyncadd.s32 $0xFFFFFC00  }
0x1e: {  	v3 =	vld [tilespmem:$0x0];
	_ =	sdelay $0x4  }
0x1f: {  	v4 =	vshll.u32 v3, $0x3  }
0x20: {  	v3 =	vand.u32 $0x7, v3;
	v4 =	vand.u32 $0xFFFFFFC0, v4  }
0x21: {  	v3 =	vor.u32 v3, v4  }
0x22: {  	v4 =	vperm.xlane v3, v0;
	_ =	sdelay $0x1  }
0x23: {  	v4 =	vadd.s32 v1, v4;
	_ =	sdelay $0x4  }
0x24: {  	[tilespmem:s12], [sflag:$0x1] =	stream.indirect_vreg.gather [hbm4b:s1+s3], $0x80, v4, vm0, $0xb8;
	[tilespmem:$0x14480] =	vst v63  }
0x25: {  	s14 =	simm.s32 $0xC80;
	v3 =	vperm.xlane v3, v2  }
0x26: {  	[tilespmem:s14], [sflag:$0x1] =	stream.indirect_vreg.gather [hbm4b:s5+s3], $0x80, v4, vm0, $0xb8;
	[tilespmem:$0x14480] =	vst v63  }
0x27: {  	s18 =	simm.s32 $0x1480;
	v3 =	vadd.s32 v1, v3  }
0x28: {  	[tilespmem:s18], [sflag:$0x1] =	stream.indirect_vreg.gather [hbm4b:s6+s3], $0x80, v4, vm0, $0xb8;
	[tilespmem:$0x14480] =	vst v63  }
0x29: {  	s15 =	simm.s32 $0x1C80  }
0x2a: {  	[tilespmem:s15], [sflag:$0x1] =	stream.indirect_vreg.gather [hbm4b:s7+s3], $0x80, v4, vm0, $0xb8;
	[tilespmem:$0x14480] =	vst v63  }
0x2b: {  	s16 =	simm.s32 $0x2480  }
0x2c: {  	[tilespmem:s16], [sflag:$0x1] =	stream.indirect_vreg.gather [hbm4b:s1+s3], $0x80, v3, vm0, $0xb8;
	[tilespmem:$0x14480] =	vst v63  }
0x2d: {  	s17 =	simm.s32 $0x2C80  }
0x2e: {  	[tilespmem:s17], [sflag:$0x1] =	stream.indirect_vreg.gather [hbm4b:s5+s3], $0x80, v3, vm0, $0xb8;
	[tilespmem:$0x14480] =	vst v63  }
0x2f: {  	s18 =	simm.s32 $0x3480  }
0x30: {  	[tilespmem:s18], [sflag:$0x1] =	stream.indirect_vreg.gather [hbm4b:s6+s3], $0x80, v3, vm0, $0xb8;
	[tilespmem:$0x14480] =	vst v63  }
0x31: {  	_ = 	snop  }
0x32: {  	[tilespmem:s19], [sflag:$0x1] =	stream.indirect_vreg.gather [hbm4b:s7+s3], $0x80, v3, vm0, $0xb8;
	[tilespmem:$0x14480] =	vst v63  }
0x33: {  	v3 =	vld [tilespmem:$0x10];
	_ =	sdelay $0x4  }
0x34: {  	v63 =	vshll.u32 v3, $0x3  }
0x35: {  	v3 =	vand.u32 $0x7, v3;
	v4 =	vand.u32 $0xFFFFFFC0, v63  }
0x36: {  	v3 =	vor.u32 v3, v4  }
0x37: {  	v4 =	vperm.xlane v3, v0;
	_ =	sdelay $0x1  }
0x38: {  	v4 =	vadd.s32 v1, v4;
	_ =	sdelay $0x4  }
0x39: {  	[tilespmem:s20], [sflag:$0x1] =	stream.indirect_vreg.gather [hbm4b:s1+s3], $0x80, v4, vm0, $0xb8;
	[tilespmem:$0x14480] =	vst v63  }
0x3a: {  	v3 =	vperm.xlane v3, v2  }
0x3b: {  	[tilespmem:s21], [sflag:$0x1] =	stream.indirect_vreg.gather [hbm4b:s5+s3], $0x80, v4, vm0, $0xb8;
	[tilespmem:$0x14480] =	vst v63  }
0x3c: {  	v3 =	vadd.s32 v1, v3  }
0x3d: {  	[tilespmem:s22], [sflag:$0x1] =	stream.indirect_vreg.gather [hbm4b:s6+s3], $0x80, v4, vm0, $0xb8;
	[tilespmem:$0x14480] =	vst v63  }
0x3e: {  	_ = 	snop  }
0x3f: {  	[tilespmem:s23], [sflag:$0x1] =	stream.indirect_vreg.gather [hbm4b:s7+s3], $0x80, v4, vm0, $0xb8;
	[tilespmem:$0x14480] =	vst v63  }
0x40: {  	_ = 	snop  }
0x41: {  	[tilespmem:s24], [sflag:$0x1] =	stream.indirect_vreg.gather [hbm4b:s1+s3], $0x80, v3, vm0, $0xb8;
	[tilespmem:$0x14480] =	vst v63  }
0x42: {  	_ = 	snop  }
0x43: {  	[tilespmem:s25], [sflag:$0x1] =	stream.indirect_vreg.gather [hbm4b:s5+s3], $0x80, v3, vm0, $0xb8;
	[tilespmem:$0x14480] =	vst v63  }
0x44: {  	_ = 	snop  }
0x45: {  	[tilespmem:s26], [sflag:$0x1] =	stream.indirect_vreg.gather [hbm4b:s6+s3], $0x80, v3, vm0, $0xb8;
	[tilespmem:$0x14480] =	vst v63  }
0x46: {  	s14 =	simm.s32 $0x30;
	s15 =	simm.s32 $0x0  }
0x47: {  	[tilespmem:s28], [sflag:$0x1] =	stream.indirect_vreg.gather [hbm4b:s7+s3], $0x80, v3, vm0, $0xb8;
	[tilespmem:$0x14480] =	vst v63  }
.LBB2_2:
0x48: {  	v3 =	vld [tilespmem:s14+$0xFFFFFFF0];
	_ =	sdelay $0x4  }
0x49: {  	v4 =	vshll.u32 v3, $0x3  }
0x4a: {  	v3 =	vand.u32 $0x7, v3;
	v4 =	vand.u32 $0xFFFFFFC0, v4  }
0x4b: {  	v3 =	vor.u32 v3, v4  }
0x4c: {  	v4 =	vperm.xlane v3, v0;
	_ =	sdelay $0x1  }
0x4d: {  	v4 =	vadd.s32 v1, v4;
	_ =	sdelay $0x4  }
0x4e: {  	[tilespmem:s29], [sflag:$0x2] =	stream.indirect_vreg.gather [hbm4b:s1+s3], $0x80, v4, vm0, $0xb8;
	[tilespmem:$0x14480] =	vst v63  }
0x4f: {  	s16 =	rddreg [dreg:$0x5];
	v3 =	vperm.xlane v3, v2  }
0x50: {  	[tilespmem:s16], [sflag:$0x2] =	stream.indirect_vreg.gather [hbm4b:s5+s3], $0x80, v4, vm0, $0xb8;
	[tilespmem:$0x14480] =	vst v63  }
0x51: {  	s17 =	rddreg [dreg:$0x6];
	v3 =	vadd.s32 v1, v3  }
0x52: {  	[tilespmem:s17], [sflag:$0x2] =	stream.indirect_vreg.gather [hbm4b:s6+s3], $0x80, v4, vm0, $0xb8;
	[tilespmem:$0x14480] =	vst v63  }
0x53: {  	s18 =	rddreg [dreg:$0x7]  }
0x54: {  	[tilespmem:s18], [sflag:$0x2] =	stream.indirect_vreg.gather [hbm4b:s7+s3], $0x80, v4, vm0, $0xb8;
	[tilespmem:$0x14480] =	vst v63  }
0x55: {  	s17 =	rddreg [dreg:$0x8]  }
0x56: {  	[tilespmem:s17], [sflag:$0x2] =	stream.indirect_vreg.gather [hbm4b:s1+s3], $0x80, v3, vm0, $0xb8;
	[tilespmem:$0x14480] =	vst v63  }
0x57: {  	s18 =	rddreg [dreg:$0x9]  }
0x58: {  	[tilespmem:s18], [sflag:$0x2] =	stream.indirect_vreg.gather [hbm4b:s5+s3], $0x80, v3, vm0, $0xb8;
	[tilespmem:$0x14480] =	vst v63  }
0x59: {  	s17 =	rddreg [dreg:$0xa]  }
0x5a: {  	[tilespmem:s17], [sflag:$0x2] =	stream.indirect_vreg.gather [hbm4b:s6+s3], $0x80, v3, vm0, $0xb8;
	[tilespmem:$0x14480] =	vst v63  }
0x5b: {  	s18 =	rddreg [dreg:$0xb]  }
0x5c: {  	[tilespmem:s18], [sflag:$0x2] =	stream.indirect_vreg.gather [hbm4b:s7+s3], $0x80, v3, vm0, $0xb8;
	[tilespmem:$0x14480] =	vst v63  }
0x5d: {  	v3 =	vld [tilespmem:s14+$0x0];
	_ =	sdelay $0x4  }
0x5e: {  	v63 =	vshll.u32 v3, $0x3  }
0x5f: {  	v3 =	vand.u32 $0x7, v3;
	v4 =	vand.u32 $0xFFFFFFC0, v63  }
0x60: {  	v3 =	vor.u32 v3, v4  }
0x61: {  	v4 =	vperm.xlane v3, v0;
	_ =	sdelay $0x1  }
0x62: {  	v4 =	vadd.s32 v1, v4;
	_ =	sdelay $0x3  }
0x63: {  	s17 =	rddreg [dreg:$0xc]  }
0x64: {  	[tilespmem:s17], [sflag:$0x2] =	stream.indirect_vreg.gather [hbm4b:s1+s3], $0x80, v4, vm0, $0xb8;
	[tilespmem:$0x14480] =	vst v63  }
0x65: {  	s18 =	rddreg [dreg:$0xd];
	v3 =	vperm.xlane v3, v2  }
0x66: {  	[tilespmem:s18], [sflag:$0x2] =	stream.indirect_vreg.gather [hbm4b:s5+s3], $0x80, v4, vm0, $0xb8;
	[tilespmem:$0x14480] =	vst v63  }
0x67: {  	s16 =	rddreg [dreg:$0xe];
	v3 =	vadd.s32 v1, v3  }
0x68: {  	[tilespmem:s16], [sflag:$0x2] =	stream.indirect_vreg.gather [hbm4b:s6+s3], $0x80, v4, vm0, $0xb8;
	[tilespmem:$0x14480] =	vst v63  }
0x69: {  	s18 =	rddreg [dreg:$0xf]  }
0x6a: {  	[tilespmem:s18], [sflag:$0x2] =	stream.indirect_vreg.gather [hbm4b:s7+s3], $0x80, v4, vm0, $0xb8;
	[tilespmem:$0x14480] =	vst v63  }
0x6b: {  	s16 =	rddreg [dreg:$0x10]  }
0x6c: {  	[tilespmem:s16], [sflag:$0x2] =	stream.indirect_vreg.gather [hbm4b:s1+s3], $0x80, v3, vm0, $0xb8;
	[tilespmem:$0x14480] =	vst v63  }
0x6d: {  	s18 =	rddreg [dreg:$0x11]  }
0x6e: {  	[tilespmem:s18], [sflag:$0x2] =	stream.indirect_vreg.gather [hbm4b:s5+s3], $0x80, v3, vm0, $0xb8;
	[tilespmem:$0x14480] =	vst v63  }
0x6f: {  	_ = 	snop  }
0x70: {  	[tilespmem:s30], [sflag:$0x2] =	stream.indirect_vreg.gather [hbm4b:s6+s3], $0x80, v3, vm0, $0xb8;
	[tilespmem:$0x14480] =	vst v63  }
0x71: {  	_ = 	snop  }
0x72: {  	[tilespmem:s31], [sflag:$0x2] =	stream.indirect_vreg.gather [hbm4b:s7+s3], $0x80, v3, vm0, $0xb8;
	[tilespmem:$0x14480] =	vst v63  }
0x73: {  	_ =	swait.ge [sflag:s2], $0x8000  }
0x74: {  	s18 =	rddreg [dreg:$0x4];
	[sflag:s2] =	ssyncset.done $0x0  }
0x75: {  	[sflag:s2] =	ssyncadd.s32 $0xFFFF8000;
	s16 =	sadd.s32 s15, s18  }
0x76: {  	[hbm4b:s16+s3] =	stream.linear.scatter [tilespmem:s12], [sflag:$0x3], $0x8000, $0x38;
	[tilespmem:$0x14480] =	vst v63  }
0x77: {  	_ =	swait.ge [sflag:s11], $0x8000  }
0x78: {  	[sflag:s11] =	ssyncset.done $0x0  }
0x79: {  	p1 =	seq.s32 s15, $0x1E000;
	[sflag:s11] =	ssyncadd.s32 $0xFFFF8000  }
0x7a: {  	v3 =	vld @!p1 [tilespmem:s14+$0x10];
	_ =	sdelay $0x4  }
0x7b: {  	v4 =	vshll.u32 @!p1 v3, $0x3  }
0x7c: {  	v5 =	vlaneseq.u32 @!p1;
	v3 =	vand.u32 @!p1 $0x7, v3;
	v4 =	vand.u32 @!p1 $0xFFFFFFC0, v4  }
0x7d: {  	v6 =	vshrl.u32 @!p1 v5, $0x3;
	v3 =	vor.u32 @!p1 v3, v4;
	v4 =	vand.u32 @!p1 $0x7, v5  }
0x7e: {  	v6 =	vmul.u32 @!p1 $0x8, v6;
	v7 =	vperm.xlane @!p1 v3, v4;
	_ =	sdelay $0x1  }
0x7f: {  	v7 =	vadd.s32 @!p1 v6, v7;
	_ =	sdelay $0x3  }
0x80: {  	vm2 =	vmmov @!p1 $0xffff;
	s17 =	simm.s32 @!p1 $0x0;
	s18 =	simm.s32 @!p1 $0x480  }
0x81: {  	v5 =	vor.u32 @!p1 $0x8, v5;
	[tilespmem:s18], [sflag:$0x1] =	stream.indirect_vreg.gather @!p1 [hbm4b:s1+s17], $0x80, v7, vm2, $0xb8;
	[tilespmem:$0x14480] =	vst v63  }
0x82: {  	v3 =	vperm.xlane @!p1 v3, v5;
	s18 =	simm.s32 @!p1 $0xC80  }
0x83: {  	[tilespmem:s18], [sflag:$0x1] =	stream.indirect_vreg.gather @!p1 [hbm4b:s5+s17], $0x80, v7, vm2, $0xb8;
	[tilespmem:$0x14480] =	vst v63  }
0x84: {  	v3 =	vadd.s32 @!p1 v6, v3;
	s18 =	simm.s32 @!p1 $0x1480  }
0x85: {  	[tilespmem:s18], [sflag:$0x1] =	stream.indirect_vreg.gather @!p1 [hbm4b:s6+s17], $0x80, v7, vm2, $0xb8;
	[tilespmem:$0x14480] =	vst v63  }
0x86: {  	s18 =	simm.s32 @!p1 $0x1C80  }
0x87: {  	[tilespmem:s18], [sflag:$0x1] =	stream.indirect_vreg.gather @!p1 [hbm4b:s7+s17], $0x80, v7, vm2, $0xb8;
	[tilespmem:$0x14480] =	vst v63  }
0x88: {  	s18 =	simm.s32 @!p1 $0x2480  }
0x89: {  	[tilespmem:s18], [sflag:$0x1] =	stream.indirect_vreg.gather @!p1 [hbm4b:s1+s17], $0x80, v3, vm2, $0xb8;
	[tilespmem:$0x14480] =	vst v63  }
0x8a: {  	s18 =	simm.s32 @!p1 $0x2C80  }
0x8b: {  	[tilespmem:s18], [sflag:$0x1] =	stream.indirect_vreg.gather @!p1 [hbm4b:s5+s17], $0x80, v3, vm2, $0xb8;
	[tilespmem:$0x14480] =	vst v63  }
0x8c: {  	s18 =	simm.s32 @!p1 $0x3480  }
0x8d: {  	[tilespmem:s18], [sflag:$0x1] =	stream.indirect_vreg.gather @!p1 [hbm4b:s6+s17], $0x80, v3, vm2, $0xb8;
	[tilespmem:$0x14480] =	vst v63  }
0x8e: {  	s18 =	simm.s32 @!p1 $0x3C80  }
0x8f: {  	[tilespmem:s18], [sflag:$0x1] =	stream.indirect_vreg.gather @!p1 [hbm4b:s7+s17], $0x80, v3, vm2, $0xb8;
	[tilespmem:$0x14480] =	vst v63  }
0x90: {  	v3 =	vld @!p1 [tilespmem:s14+$0x20];
	_ =	sdelay $0x4  }
0x91: {  	v7 =	vshll.u32 @!p1 v3, $0x3  }
0x92: {  	v3 =	vand.u32 @!p1 $0x7, v3;
	v7 =	vand.u32 @!p1 $0xFFFFFFC0, v7  }
0x93: {  	v3 =	vor.u32 @!p1 v3, v7  }
0x94: {  	v4 =	vperm.xlane @!p1 v3, v4;
	_ =	sdelay $0x1  }
0x95: {  	v4 =	vadd.s32 @!p1 v6, v4;
	_ =	sdelay $0x3  }
0x96: {  	s18 =	simm.s32 @!p1 $0x4480  }
0x97: {  	[tilespmem:s18], [sflag:$0x1] =	stream.indirect_vreg.gather @!p1 [hbm4b:s1+s17], $0x80, v4, vm2, $0xb8;
	[tilespmem:$0x14480] =	vst v63  }
0x98: {  	v3 =	vperm.xlane @!p1 v3, v5;
	s18 =	simm.s32 @!p1 $0x4C80  }
0x99: {  	[tilespmem:s18], [sflag:$0x1] =	stream.indirect_vreg.gather @!p1 [hbm4b:s5+s17], $0x80, v4, vm2, $0xb8;
	[tilespmem:$0x14480] =	vst v63  }
0x9a: {  	v3 =	vadd.s32 @!p1 v6, v3;
	s18 =	simm.s32 @!p1 $0x5480  }
0x9b: {  	[tilespmem:s18], [sflag:$0x1] =	stream.indirect_vreg.gather @!p1 [hbm4b:s6+s17], $0x80, v4, vm2, $0xb8;
	[tilespmem:$0x14480] =	vst v63  }
0x9c: {  	s18 =	simm.s32 @!p1 $0x5C80  }
0x9d: {  	[tilespmem:s18], [sflag:$0x1] =	stream.indirect_vreg.gather @!p1 [hbm4b:s7+s17], $0x80, v4, vm2, $0xb8;
	[tilespmem:$0x14480] =	vst v63  }
0x9e: {  	s18 =	simm.s32 @!p1 $0x6480  }
0x9f: {  	[tilespmem:s18], [sflag:$0x1] =	stream.indirect_vreg.gather @!p1 [hbm4b:s1+s17], $0x80, v3, vm2, $0xb8;
	[tilespmem:$0x14480] =	vst v63  }
0xa0: {  	s18 =	simm.s32 @!p1 $0x6C80  }
0xa1: {  	[tilespmem:s18], [sflag:$0x1] =	stream.indirect_vreg.gather @!p1 [hbm4b:s5+s17], $0x80, v3, vm2, $0xb8;
	[tilespmem:$0x14480] =	vst v63  }
0xa2: {  	s18 =	simm.s32 @!p1 $0x7480  }
0xa3: {  	[tilespmem:s18], [sflag:$0x1] =	stream.indirect_vreg.gather @!p1 [hbm4b:s6+s17], $0x80, v3, vm2, $0xb8;
	[tilespmem:$0x14480] =	vst v63  }
0xa4: {  	s18 =	simm.s32 @!p1 $0x7C80  }
0xa5: {  	[tilespmem:s18], [sflag:$0x1] =	stream.indirect_vreg.gather @!p1 [hbm4b:s7+s17], $0x80, v3, vm2, $0xb8;
	[tilespmem:$0x14480] =	vst v63  }
0xa6: {  	s15 =	sadd.s32 $0x2000, s15;
	_ =	swait.ge [sflag:s0], $0x8000  }
0xa7: {  	p1 =	sne.s32 s15, $0x20000;
	[sflag:s0] =	ssyncset.done $0x0  }
.Ltmp0:
0xa8: {  	s16 =	sadd.s32 $0x1000, s16;
	[sflag:s0] =	ssyncadd.s32 $0xFFFF8000;
	(pc) =	sbr.rel @p1 .LBB2_2-.Ltmp0, $4  }
0xa9: {  	[hbm4b:s16+s3] =	stream.linear.scatter [tilespmem:s29], [sflag:$0x3], $0x8000, $0x38;
	[tilespmem:$0x14480] =	vst v63  }
0xaa: {  	_ =	swait.ge [sflag:s11], $0x8000  }
0xab: {  	[sflag:s11] =	ssyncset.done $0x0  }
0xac: {  	s14 =	sadd.s32 $0x40, s14;
	[sflag:s11] =	ssyncadd.s32 $0xFFFF8000  }
0xad: {  	s14 =	simm.s32 @!p0 $0x0;
	s15 =	simm.s32 @!p0 $0x400  }
0xae: {  	[tilespmem:s15], [sflag:$0x3] =	stream.linear.gather @!p0 [hbm4b:s8+s14], $0x10, $0x38;
	[tilespmem:$0x14480] =	vst v63  }
0xaf: {  	s15 =	simm.s32 @!p0 $0x3  }
0xb0: {  	_ =	swait.ge @!p0 [sflag:s15], $0x10  }
0xb1: {  	[sflag:s15] =	ssyncset.done @!p0 $0x0  }
0xb2: {  	[sflag:s15] =	ssyncadd.s32 @!p0 $0xFFFFFFF0  }
0xb3: {  	v3 =	vld @!p0 [tilespmem:$0x400];
	_ =	sdelay $0x4  }
0xb4: {  	v4 =	vshll.u32 @!p0 v3, $0x3  }
0xb5: {  	v5 =	vlaneseq.u32 @!p0;
	v3 =	vand.u32 @!p0 $0x7, v3;
	v4 =	vand.u32 @!p0 $0xFFFFFFC0, v4  }
0xb6: {  	v6 =	vshrl.u32 @!p0 v5, $0x3;
	v3 =	vor.u32 @!p0 v3, v4;
	v4 =	vand.u32 @!p0 $0x7, v5  }
0xb7: {  	v6 =	vmul.u32 @!p0 $0x8, v6;
	v4 =	vperm.xlane @!p0 v3, v4;
	_ =	sdelay $0x1  }
0xb8: {  	v4 =	vadd.s32 @!p0 v6, v4;
	_ =	sdelay $0x3  }
0xb9: {  	s16 =	simm.s32 @!p0 $0x10480  }
0xba: {  	v5 =	vor.u32 @!p0 $0x8, v5;
	[tilespmem:s16], [sflag:$0x1] =	stream.indirect_vreg.gather @!p0 [hbm4b:s1+s14], $0x80, v4, vm1, $0xb8;
	[tilespmem:$0x14480] =	vst v63  }
0xbb: {  	s17 =	simm.s32 @!p0 $0x10C80;
	v3 =	vperm.xlane @!p0 v3, v5  }
0xbc: {  	[tilespmem:s17], [sflag:$0x1] =	stream.indirect_vreg.gather @!p0 [hbm4b:s5+s14], $0x80, v4, vm1, $0xb8;
	[tilespmem:$0x14480] =	vst v63  }
0xbd: {  	v3 =	vadd.s32 @!p0 v6, v3;
	s17 =	simm.s32 @!p0 $0x11480  }
0xbe: {  	[tilespmem:s17], [sflag:$0x1] =	stream.indirect_vreg.gather @!p0 [hbm4b:s6+s14], $0x80, v4, vm1, $0xb8;
	[tilespmem:$0x14480] =	vst v63  }
0xbf: {  	s17 =	simm.s32 @!p0 $0x11C80  }
0xc0: {  	[tilespmem:s17], [sflag:$0x1] =	stream.indirect_vreg.gather @!p0 [hbm4b:s7+s14], $0x80, v4, vm1, $0xb8;
	[tilespmem:$0x14480] =	vst v63  }
0xc1: {  	s17 =	simm.s32 @!p0 $0x12480  }
0xc2: {  	[tilespmem:s17], [sflag:$0x1] =	stream.indirect_vreg.gather @!p0 [hbm4b:s1+s14], $0x80, v3, vm1, $0xb8;
	[tilespmem:$0x14480] =	vst v63  }
0xc3: {  	s17 =	simm.s32 @!p0 $0x12C80  }
0xc4: {  	[tilespmem:s17], [sflag:$0x1] =	stream.indirect_vreg.gather @!p0 [hbm4b:s5+s14], $0x80, v3, vm1, $0xb8;
	[tilespmem:$0x14480] =	vst v63  }
0xc5: {  	s17 =	simm.s32 @!p0 $0x13480  }
0xc6: {  	[tilespmem:s17], [sflag:$0x1] =	stream.indirect_vreg.gather @!p0 [hbm4b:s6+s14], $0x80, v3, vm1, $0xb8;
	[tilespmem:$0x14480] =	vst v63  }
0xc7: {  	s17 =	simm.s32 @!p0 $0x13C80  }
0xc8: {  	[tilespmem:s17], [sflag:$0x1] =	stream.indirect_vreg.gather @!p0 [hbm4b:s7+s14], $0x80, v3, vm1, $0xb8;
	[tilespmem:$0x14480] =	vst v63  }
0xc9: {  	s17 =	simm.s32 @!p0 $0x1  }
0xca: {  	s13 =	sadd.s32 $0x1, s13;
	_ =	swait.ge @!p0 [sflag:s17], $0x4000  }
0xcb: {  	p1 =	sne.s32 s13, s10;
	[sflag:s17] =	ssyncset.done @!p0 $0x0  }
.Ltmp1:
0xcc: {  	[sflag:s17] =	ssyncadd.s32 @!p0 $0xFFFFC000;
	(pc) =	sbr.rel @p1 .LBB2_1-.Ltmp1, $4  }
0xcd: {  	[hbm4b:s9+s14] =	stream.linear.scatter @!p0 [tilespmem:s16], [sflag:$0x3], $0x4000, $0x38;
	[tilespmem:$0x14480] =	vst v63  }
0xce: {  	_ =	swait.ge @!p0 [sflag:s15], $0x4000  }
0xcf: {  	[sflag:s15] =	ssyncset.done @!p0 $0x0  }
0xd0: {  	[sflag:s15] =	ssyncadd.s32 @!p0 $0xFFFFC000  }
0xd1: {  	_ =	sfence.sel $0x180000  }
0xd2: {  	[bflag:$0x0] =	sbarrier.arrive $0xFFFF  }
0xd3: {  	_ =	strace $0x90000047  }
0xd4: {  	s0 =	stileid.u32;
	[bflag:$0x2] =	sbarrier.arrive $0xFFFF  }
0xd5: {  	p0 =	sne.s32 s0, $0x0;
	s0 =	rddreg [dreg:$0x3]  }
0xd6: {  	s0 =	sadd.s32 @!p0 $0x100000, s0  }
0xd7: {  	[sflag:s0] =	ssyncadd.tile.s32 @!p0 $0x1;
	_ =	shalt  }
.Lfunc_end2:
_tile_overlayer_lowered:
.L_overlay_start_2:
0xd8: {  	(tag) =	ssettag $0x2  }
0xd9: {  	s0 =	rddreg [dreg:$0x0];
	s2 =	stileid.u32  }
0xda: {  	s1 =	rddreg [dreg:$0x1];
	p0 =	sne.s32 s2, $0x0  }
0xdb: {  	s3 =	rddreg [dreg:$0x2];
	[bflag:$0x3] =	sbarrier.arrive $0xFFFF;
	s2 =	simm.s32 @!p0 $0x1C03  }
0xdc: {  	[timem:s3], [sflag:s2] =	dma.local @!p0 [hbm:s0], s1  }
0xdd: {  	s0 =	simm.s32 @!p0 $0x3  }
0xde: {  	_ =	swait.ge @!p0 [sflag:s0], s1  }
0xdf: {  	s1 =	ssub.s32 @!p0 $0x0, s1;
	[sflag:s0] =	ssyncset.done @!p0 $0x0  }
0xe0: {  	[sflag:s0] =	ssyncadd.s32 @!p0 s1  }
0xe1: {  	[bflag:$0x3] =	sbarrier.arrive $0xFFFF  }
0xe2: {  	_ =	shalt  }

</sc_bundles>
